<compile_context>
chip_gen: v7x
topology: tpu7x:2x2x1
jax: 0.10.2.dev20260603
libtpu: 0.0.44.dev20260713+nightly
codegen_flags: <defaults>
</compile_context>

<pallas_src>
import functools

import jax
import jax.numpy as jnp
from jax import lax
from jax.experimental import pallas as pl
from jax.experimental.pallas import tpu as pltpu
from jax.experimental.pallas import tpu_sc as plsc

_CHUNK = 128


@functools.cache
def _build(B, D):
    info = plsc.get_sparse_core_info()
    NC, NS = info.num_cores, info.num_subcores
    NW = NC * NS
    b_per_w = B // NW
    n_chunks = b_per_w // _CHUNK

    mesh = plsc.VectorSubcoreMesh(core_axis_name="c", subcore_axis_name="s")

    def body(mem_hbm, lu_hbm, idx_hbm, out_mem, out_lu,
             idx_v, rows_v, lu_v, gsems, lsem, wsem):
        wid = lax.axis_index("s") * NC + lax.axis_index("c")
        base = wid * b_per_w
        pltpu.sync_copy(idx_hbm.at[pl.ds(wid * n_chunks, n_chunks)], idx_v)
        gathers = [pltpu.async_copy(
            mem_hbm.at[idx_v.at[j]],
            rows_v.at[pl.ds(j * _CHUNK, _CHUNK)], gsems.at[j])
            for j in range(n_chunks)]
        lu_copies = [pltpu.async_copy(
            lu_hbm.at[idx_v.at[j]],
            lu_v.at[pl.ds(j * _CHUNK, _CHUNK)], lsem)
            for j in range(n_chunks)]
        for c in gathers:
            c.wait()
        w = pltpu.async_copy(rows_v, out_mem.at[pl.ds(base, b_per_w)], wsem)
        for c in lu_copies:
            c.wait()
        pltpu.sync_copy(lu_v, out_lu.at[pl.ds(base, b_per_w)])
        w.wait()

    return pl.kernel(
        body,
        out_type=(jax.ShapeDtypeStruct((B, D), jnp.float32),
                  jax.ShapeDtypeStruct((B,), jnp.int32)),
        mesh=mesh,
        scratch_types=[
            pltpu.VMEM((n_chunks, _CHUNK), jnp.int32),
            pltpu.VMEM((b_per_w, D), jnp.float32),
            pltpu.VMEM((b_per_w,), jnp.int32),
            pltpu.SemaphoreType.DMA((n_chunks,)),
            pltpu.SemaphoreType.DMA,
            pltpu.SemaphoreType.DMA,
        ],
    )


def kernel(memory, last_update, n_id):
    B = n_id.shape[0]
    D = memory.shape[1]
    k = _build(B, D)
    idx2d = n_id.astype(jnp.int32).reshape(B // _CHUNK, _CHUNK)
    mem_out, lu_out = k(memory, last_update.astype(jnp.int32), idx2d)
    return (mem_out, lu_out)

# --- scband reference (transcript-rebuilt; emitter-appended) ---
"""Pipeline reference for scband-tgnmemory-63496796504572 (READ-ONLY COPY).

The authoritative reference and input builder live on the scoring server;
editing this copy changes nothing except your own understanding.
"""

import jax, jax.numpy as jnp
import numpy as np

NUM_NODES = 1000000
MEMORY_DIM = 128
BATCH = 16384


def setup_inputs(seed: int = 0) -> dict:
    key = jax.random.key(seed)
    k1, k2, k3 = jax.random.split(key, 3)
    # forward arg per input_specs
    n_id = jax.random.randint(k1, (BATCH,), 0, NUM_NODES)
    # learned/state buffers of TGNMemory sized per init_kwargs
    # memory buffer: [num_nodes, memory_dim]
    memory = jax.random.normal(k2, (NUM_NODES, MEMORY_DIM), dtype=jnp.float32)
    # last_update buffer: [num_nodes], integer timestamps
    last_update = jax.random.randint(k3, (NUM_NODES,), 0, 1000000)
    return {"memory": memory, "last_update": last_update, "n_id": n_id}


def reference(memory, last_update, n_id):
    # TGNMemory.forward (inference path): for all nodes n_id, return their
    # current memory and last-updated timestamp:
    #   memory[n_id], last_update[n_id]
    # (In training mode with empty message stores after reset_state(), the
    # updated memory equals the stored memory, so the gather is the faithful
    # computation.)
    mem = jnp.take(memory, n_id, axis=0)
    lu = jnp.take(last_update, n_id, axis=0)
    return (mem, lu)

if __name__ == "__main__":
    import jax
    _d = setup_inputs()
    print(jax.jit(kernel)(*tuple(_d.values())))

</pallas_src>

<mosaic_0001>
#map = affine_map<(d0, d1) -> (0, 0)>
#map1 = affine_map<(d0, d1) -> (0)>
module attributes {stable_mosaic.version = 14 : i64} {
  func.func @body(%arg0: i32, %arg1: i32, %arg2: memref<1000000x128xf32, #tpu.memory_space<hbm>>, %arg3: memref<1000000xi32, #tpu.memory_space<hbm>>, %arg4: memref<128x128xi32, #tpu.memory_space<hbm>>, %arg5: memref<16384x128xf32, #tpu.memory_space<hbm>>, %arg6: memref<16384xi32, #tpu.memory_space<hbm>>, %arg7: memref<4x128xi32, #tpu.memory_space<vmem>>, %arg8: memref<512x128xf32, #tpu.memory_space<vmem>>, %arg9: memref<512xi32, #tpu.memory_space<vmem>>, %arg10: memref<4x!tpu.dma_semaphore, #tpu.memory_space<semaphore_mem>>, %arg11: memref<!tpu.dma_semaphore, #tpu.memory_space<semaphore_mem>>, %arg12: memref<!tpu.dma_semaphore, #tpu.memory_space<semaphore_mem>>) attributes {dimension_semantics = [#tpu.dimension_semantics<core_parallel>, #tpu.dimension_semantics<subcore_parallel>], iteration_bounds = array<i64: 2, 16>, scalar_prefetch = 0 : i64, scratch_operands = 6 : i64, tpu.core_type = #tpu.core_type<sc_vector_subcore>, window_params = [{transform_indices = #map}, {transform_indices = #map1}, {transform_indices = #map}, {transform_indices = #map}, {transform_indices = #map1}]} {
    %mul3A = arith.constant 2 : i32
    %mul3A_0 = arith.muli %arg1, %mul3A : i32
    %add3A = arith.addi %mul3A_0, %arg0 : i32
    %mul3A_1 = arith.constant 512 : i32
    %mul3A_2 = arith.muli %add3A, %mul3A_1 : i32
    %mul3A_3 = arith.constant 4 : i32
    %mul3A_4 = arith.muli %add3A, %mul3A_3 : i32
    "tpu.region"() ({
      %run_scoped3A = tpu.sem_alloc : memref<!tpu.dma_semaphore, #tpu.memory_space<semaphore_mem>>
      %dma_start3A_179 = arith.constant 0 : i32
      %dma_start3A_180 = tpu.memref_slice %arg4[%mul3A_4, %dma_start3A_179] : memref<128x128xi32, #tpu.memory_space<hbm>> -> memref<4x128xi32, #tpu.memory_space<hbm>>
      %dma_start3A_181 = arith.constant 0 : i32
      %dma_start3A_182 = tpu.memref_slice %arg4[%mul3A_4, %dma_start3A_181] : memref<128x128xi32, #tpu.memory_space<hbm>> -> memref<4x128xi32, #tpu.memory_space<hbm>>
      tpu.enqueue_dma source(%dma_start3A_182 : memref<4x128xi32, #tpu.memory_space<hbm>>) target(%arg7 : memref<4x128xi32, #tpu.memory_space<vmem>>) target_semaphore(%run_scoped3A : memref<!tpu.dma_semaphore, #tpu.memory_space<semaphore_mem>>)
      %dma_wait3A_183 = arith.constant 0 : i32
      %dma_wait3A_184 = tpu.memref_slice %arg4[%mul3A_4, %dma_wait3A_183] : memref<128x128xi32, #tpu.memory_space<hbm>> -> memref<4x128xi32, #tpu.memory_space<hbm>>
      %dma_wait3A_185 = arith.constant 0 : i32
      %dma_wait3A_186 = tpu.memref_slice %arg4[%mul3A_4, %dma_wait3A_185] : memref<128x128xi32, #tpu.memory_space<hbm>> -> memref<4x128xi32, #tpu.memory_space<hbm>>
      tpu.wait_dma2 semaphore(%run_scoped3A : memref<!tpu.dma_semaphore, #tpu.memory_space<semaphore_mem>>) src(%dma_wait3A_186 : memref<4x128xi32, #tpu.memory_space<hbm>>) dst(%arg7 : memref<4x128xi32, #tpu.memory_space<vmem>>)
      tpu.yield
    }) : () -> ()
    %dma_start3A = arith.constant 0 : i32
    %dma_start3A_5 = arith.constant 0 : i32
    %dma_start3A_6 = arith.constant 0 : i32
    %dma_start3A_7 = arith.constant 0 : i32
    %dma_start3A_8 = tpu.memref_slice %arg8[%dma_start3A_6, %dma_start3A_7] : memref<512x128xf32, #tpu.memory_space<vmem>> -> memref<128x128xf32, #tpu.memory_space<vmem>>
    %dma_start3A_9 = arith.constant 0 : i32
    %dma_start3A_10 = tpu.memref_slice %arg7[%dma_start3A, %dma_start3A_9] : memref<4x128xi32, #tpu.memory_space<vmem>> -> memref<1x128xi32, #tpu.memory_space<vmem>>
    %dma_start3A_11 = tpu.memref_squeeze %dma_start3A_10 : memref<1x128xi32, #tpu.memory_space<vmem>> -> memref<128xi32, #tpu.memory_space<vmem>>
    %dma_start3A_12 = arith.constant 0 : i32
    %dma_start3A_13 = arith.constant 0 : i32
    %dma_start3A_14 = tpu.memref_slice %arg2[%dma_start3A_12, %dma_start3A_13] : memref<1000000x128xf32, #tpu.memory_space<hbm>> -> memref<1000000x128xf32, #tpu.memory_space<hbm>>
    %dma_start3A_15 = tpu.memref_slice %arg10[%dma_start3A_5] : memref<4x!tpu.dma_semaphore, #tpu.memory_space<semaphore_mem>> -> memref<1x!tpu.dma_semaphore, #tpu.memory_space<semaphore_mem>>
    %dma_start3A_16 = tpu.memref_squeeze %dma_start3A_15 : memref<1x!tpu.dma_semaphore, #tpu.memory_space<semaphore_mem>> -> memref<!tpu.dma_semaphore, #tpu.memory_space<semaphore_mem>>
    tpu.enqueue_indirect_dma source(%dma_start3A_14 : memref<1000000x128xf32, #tpu.memory_space<hbm>>) target(%dma_start3A_8 : memref<128x128xf32, #tpu.memory_space<vmem>>) offsets(%dma_start3A_11 : memref<128xi32, #tpu.memory_space<vmem>>) semaphore(%dma_start3A_16 : memref<!tpu.dma_semaphore, #tpu.memory_space<semaphore_mem>>)
    %dma_start3A_17 = arith.constant 1 : i32
    %dma_start3A_18 = arith.constant 1 : i32
    %dma_start3A_19 = arith.constant 128 : i32
    %dma_start3A_20 = arith.constant 0 : i32
    %dma_start3A_21 = tpu.memref_slice %arg8[%dma_start3A_19, %dma_start3A_20] : memref<512x128xf32, #tpu.memory_space<vmem>> -> memref<128x128xf32, #tpu.memory_space<vmem>>
    %dma_start3A_22 = arith.constant 0 : i32
    %dma_start3A_23 = tpu.memref_slice %arg7[%dma_start3A_17, %dma_start3A_22] : memref<4x128xi32, #tpu.memory_space<vmem>> -> memref<1x128xi32, #tpu.memory_space<vmem>>
    %dma_start3A_24 = tpu.memref_squeeze %dma_start3A_23 : memref<1x128xi32, #tpu.memory_space<vmem>> -> memref<128xi32, #tpu.memory_space<vmem>>
    %dma_start3A_25 = arith.constant 0 : i32
    %dma_start3A_26 = arith.constant 0 : i32
    %dma_start3A_27 = tpu.memref_slice %arg2[%dma_start3A_25, %dma_start3A_26] : memref<1000000x128xf32, #tpu.memory_space<hbm>> -> memref<1000000x128xf32, #tpu.memory_space<hbm>>
    %dma_start3A_28 = tpu.memref_slice %arg10[%dma_start3A_18] : memref<4x!tpu.dma_semaphore, #tpu.memory_space<semaphore_mem>> -> memref<1x!tpu.dma_semaphore, #tpu.memory_space<semaphore_mem>>
    %dma_start3A_29 = tpu.memref_squeeze %dma_start3A_28 : memref<1x!tpu.dma_semaphore, #tpu.memory_space<semaphore_mem>> -> memref<!tpu.dma_semaphore, #tpu.memory_space<semaphore_mem>>
    tpu.enqueue_indirect_dma source(%dma_start3A_27 : memref<1000000x128xf32, #tpu.memory_space<hbm>>) target(%dma_start3A_21 : memref<128x128xf32, #tpu.memory_space<vmem>>) offsets(%dma_start3A_24 : memref<128xi32, #tpu.memory_space<vmem>>) semaphore(%dma_start3A_29 : memref<!tpu.dma_semaphore, #tpu.memory_space<semaphore_mem>>)
    %dma_start3A_30 = arith.constant 2 : i32
    %dma_start3A_31 = arith.constant 2 : i32
    %dma_start3A_32 = arith.constant 256 : i32
    %dma_start3A_33 = arith.constant 0 : i32
    %dma_start3A_34 = tpu.memref_slice %arg8[%dma_start3A_32, %dma_start3A_33] : memref<512x128xf32, #tpu.memory_space<vmem>> -> memref<128x128xf32, #tpu.memory_space<vmem>>
    %dma_start3A_35 = arith.constant 0 : i32
    %dma_start3A_36 = tpu.memref_slice %arg7[%dma_start3A_30, %dma_start3A_35] : memref<4x128xi32, #tpu.memory_space<vmem>> -> memref<1x128xi32, #tpu.memory_space<vmem>>
    %dma_start3A_37 = tpu.memref_squeeze %dma_start3A_36 : memref<1x128xi32, #tpu.memory_space<vmem>> -> memref<128xi32, #tpu.memory_space<vmem>>
    %dma_start3A_38 = arith.constant 0 : i32
    %dma_start3A_39 = arith.constant 0 : i32
    %dma_start3A_40 = tpu.memref_slice %arg2[%dma_start3A_38, %dma_start3A_39] : memref<1000000x128xf32, #tpu.memory_space<hbm>> -> memref<1000000x128xf32, #tpu.memory_space<hbm>>
    %dma_start3A_41 = tpu.memref_slice %arg10[%dma_start3A_31] : memref<4x!tpu.dma_semaphore, #tpu.memory_space<semaphore_mem>> -> memref<1x!tpu.dma_semaphore, #tpu.memory_space<semaphore_mem>>
    %dma_start3A_42 = tpu.memref_squeeze %dma_start3A_41 : memref<1x!tpu.dma_semaphore, #tpu.memory_space<semaphore_mem>> -> memref<!tpu.dma_semaphore, #tpu.memory_space<semaphore_mem>>
    tpu.enqueue_indirect_dma source(%dma_start3A_40 : memref<1000000x128xf32, #tpu.memory_space<hbm>>) target(%dma_start3A_34 : memref<128x128xf32, #tpu.memory_space<vmem>>) offsets(%dma_start3A_37 : memref<128xi32, #tpu.memory_space<vmem>>) semaphore(%dma_start3A_42 : memref<!tpu.dma_semaphore, #tpu.memory_space<semaphore_mem>>)
    %dma_start3A_43 = arith.constant 3 : i32
    %dma_start3A_44 = arith.constant 3 : i32
    %dma_start3A_45 = arith.constant 384 : i32
    %dma_start3A_46 = arith.constant 0 : i32
    %dma_start3A_47 = tpu.memref_slice %arg8[%dma_start3A_45, %dma_start3A_46] : memref<512x128xf32, #tpu.memory_space<vmem>> -> memref<128x128xf32, #tpu.memory_space<vmem>>
    %dma_start3A_48 = arith.constant 0 : i32
    %dma_start3A_49 = tpu.memref_slice %arg7[%dma_start3A_43, %dma_start3A_48] : memref<4x128xi32, #tpu.memory_space<vmem>> -> memref<1x128xi32, #tpu.memory_space<vmem>>
    %dma_start3A_50 = tpu.memref_squeeze %dma_start3A_49 : memref<1x128xi32, #tpu.memory_space<vmem>> -> memref<128xi32, #tpu.memory_space<vmem>>
    %dma_start3A_51 = arith.constant 0 : i32
    %dma_start3A_52 = arith.constant 0 : i32
    %dma_start3A_53 = tpu.memref_slice %arg2[%dma_start3A_51, %dma_start3A_52] : memref<1000000x128xf32, #tpu.memory_space<hbm>> -> memref<1000000x128xf32, #tpu.memory_space<hbm>>
    %dma_start3A_54 = tpu.memref_slice %arg10[%dma_start3A_44] : memref<4x!tpu.dma_semaphore, #tpu.memory_space<semaphore_mem>> -> memref<1x!tpu.dma_semaphore, #tpu.memory_space<semaphore_mem>>
    %dma_start3A_55 = tpu.memref_squeeze %dma_start3A_54 : memref<1x!tpu.dma_semaphore, #tpu.memory_space<semaphore_mem>> -> memref<!tpu.dma_semaphore, #tpu.memory_space<semaphore_mem>>
    tpu.enqueue_indirect_dma source(%dma_start3A_53 : memref<1000000x128xf32, #tpu.memory_space<hbm>>) target(%dma_start3A_47 : memref<128x128xf32, #tpu.memory_space<vmem>>) offsets(%dma_start3A_50 : memref<128xi32, #tpu.memory_space<vmem>>) semaphore(%dma_start3A_55 : memref<!tpu.dma_semaphore, #tpu.memory_space<semaphore_mem>>)
    %dma_start3A_56 = arith.constant 0 : i32
    %dma_start3A_57 = arith.constant 0 : i32
    %dma_start3A_58 = tpu.memref_slice %arg9[%dma_start3A_57] : memref<512xi32, #tpu.memory_space<vmem>> -> memref<128xi32, #tpu.memory_space<vmem>>
    %dma_start3A_59 = arith.constant 0 : i32
    %dma_start3A_60 = tpu.memref_slice %arg7[%dma_start3A_56, %dma_start3A_59] : memref<4x128xi32, #tpu.memory_space<vmem>> -> memref<1x128xi32, #tpu.memory_space<vmem>>
    %dma_start3A_61 = tpu.memref_squeeze %dma_start3A_60 : memref<1x128xi32, #tpu.memory_space<vmem>> -> memref<128xi32, #tpu.memory_space<vmem>>
    %dma_start3A_62 = arith.constant 0 : i32
    %dma_start3A_63 = tpu.memref_slice %arg3[%dma_start3A_62] : memref<1000000xi32, #tpu.memory_space<hbm>> -> memref<1000000xi32, #tpu.memory_space<hbm>>
    tpu.enqueue_indirect_dma source(%dma_start3A_63 : memref<1000000xi32, #tpu.memory_space<hbm>>) target(%dma_start3A_58 : memref<128xi32, #tpu.memory_space<vmem>>) offsets(%dma_start3A_61 : memref<128xi32, #tpu.memory_space<vmem>>) semaphore(%arg11 : memref<!tpu.dma_semaphore, #tpu.memory_space<semaphore_mem>>)
    %dma_start3A_64 = arith.constant 1 : i32
    %dma_start3A_65 = arith.constant 128 : i32
    %dma_start3A_66 = tpu.memref_slice %arg9[%dma_start3A_65] : memref<512xi32, #tpu.memory_space<vmem>> -> memref<128xi32, #tpu.memory_space<vmem>>
    %dma_start3A_67 = arith.constant 0 : i32
    %dma_start3A_68 = tpu.memref_slice %arg7[%dma_start3A_64, %dma_start3A_67] : memref<4x128xi32, #tpu.memory_space<vmem>> -> memref<1x128xi32, #tpu.memory_space<vmem>>
    %dma_start3A_69 = tpu.memref_squeeze %dma_start3A_68 : memref<1x128xi32, #tpu.memory_space<vmem>> -> memref<128xi32, #tpu.memory_space<vmem>>
    %dma_start3A_70 = arith.constant 0 : i32
    %dma_start3A_71 = tpu.memref_slice %arg3[%dma_start3A_70] : memref<1000000xi32, #tpu.memory_space<hbm>> -> memref<1000000xi32, #tpu.memory_space<hbm>>
    tpu.enqueue_indirect_dma source(%dma_start3A_71 : memref<1000000xi32, #tpu.memory_space<hbm>>) target(%dma_start3A_66 : memref<128xi32, #tpu.memory_space<vmem>>) offsets(%dma_start3A_69 : memref<128xi32, #tpu.memory_space<vmem>>) semaphore(%arg11 : memref<!tpu.dma_semaphore, #tpu.memory_space<semaphore_mem>>)
    %dma_start3A_72 = arith.constant 2 : i32
    %dma_start3A_73 = arith.constant 256 : i32
    %dma_start3A_74 = tpu.memref_slice %arg9[%dma_start3A_73] : memref<512xi32, #tpu.memory_space<vmem>> -> memref<128xi32, #tpu.memory_space<vmem>>
    %dma_start3A_75 = arith.constant 0 : i32
    %dma_start3A_76 = tpu.memref_slice %arg7[%dma_start3A_72, %dma_start3A_75] : memref<4x128xi32, #tpu.memory_space<vmem>> -> memref<1x128xi32, #tpu.memory_space<vmem>>
    %dma_start3A_77 = tpu.memref_squeeze %dma_start3A_76 : memref<1x128xi32, #tpu.memory_space<vmem>> -> memref<128xi32, #tpu.memory_space<vmem>>
    %dma_start3A_78 = arith.constant 0 : i32
    %dma_start3A_79 = tpu.memref_slice %arg3[%dma_start3A_78] : memref<1000000xi32, #tpu.memory_space<hbm>> -> memref<1000000xi32, #tpu.memory_space<hbm>>
    tpu.enqueue_indirect_dma source(%dma_start3A_79 : memref<1000000xi32, #tpu.memory_space<hbm>>) target(%dma_start3A_74 : memref<128xi32, #tpu.memory_space<vmem>>) offsets(%dma_start3A_77 : memref<128xi32, #tpu.memory_space<vmem>>) semaphore(%arg11 : memref<!tpu.dma_semaphore, #tpu.memory_space<semaphore_mem>>)
    %dma_start3A_80 = arith.constant 3 : i32
    %dma_start3A_81 = arith.constant 384 : i32
    %dma_start3A_82 = tpu.memref_slice %arg9[%dma_start3A_81] : memref<512xi32, #tpu.memory_space<vmem>> -> memref<128xi32, #tpu.memory_space<vmem>>
    %dma_start3A_83 = arith.constant 0 : i32
    %dma_start3A_84 = tpu.memref_slice %arg7[%dma_start3A_80, %dma_start3A_83] : memref<4x128xi32, #tpu.memory_space<vmem>> -> memref<1x128xi32, #tpu.memory_space<vmem>>
    %dma_start3A_85 = tpu.memref_squeeze %dma_start3A_84 : memref<1x128xi32, #tpu.memory_space<vmem>> -> memref<128xi32, #tpu.memory_space<vmem>>
    %dma_start3A_86 = arith.constant 0 : i32
    %dma_start3A_87 = tpu.memref_slice %arg3[%dma_start3A_86] : memref<1000000xi32, #tpu.memory_space<hbm>> -> memref<1000000xi32, #tpu.memory_space<hbm>>
    tpu.enqueue_indirect_dma source(%dma_start3A_87 : memref<1000000xi32, #tpu.memory_space<hbm>>) target(%dma_start3A_82 : memref<128xi32, #tpu.memory_space<vmem>>) offsets(%dma_start3A_85 : memref<128xi32, #tpu.memory_space<vmem>>) semaphore(%arg11 : memref<!tpu.dma_semaphore, #tpu.memory_space<semaphore_mem>>)
    %dma_wait3A = arith.constant 0 : i32
    %dma_wait3A_88 = arith.constant 0 : i32
    %dma_wait3A_89 = arith.constant 0 : i32
    %dma_wait3A_90 = arith.constant 0 : i32
    %dma_wait3A_91 = tpu.memref_slice %arg8[%dma_wait3A_89, %dma_wait3A_90] : memref<512x128xf32, #tpu.memory_space<vmem>> -> memref<128x128xf32, #tpu.memory_space<vmem>>
    %dma_wait3A_92 = arith.constant 0 : i32
    %dma_wait3A_93 = tpu.memref_slice %arg7[%dma_wait3A, %dma_wait3A_92] : memref<4x128xi32, #tpu.memory_space<vmem>> -> memref<1x128xi32, #tpu.memory_space<vmem>>
    %dma_wait3A_94 = tpu.memref_squeeze %dma_wait3A_93 : memref<1x128xi32, #tpu.memory_space<vmem>> -> memref<128xi32, #tpu.memory_space<vmem>>
    %dma_wait3A_95 = arith.constant 0 : i32
    %dma_wait3A_96 = arith.constant 0 : i32
    %dma_wait3A_97 = tpu.memref_slice %arg2[%dma_wait3A_95, %dma_wait3A_96] : memref<1000000x128xf32, #tpu.memory_space<hbm>> -> memref<1000000x128xf32, #tpu.memory_space<hbm>>
    %dma_wait3A_98 = tpu.memref_slice %arg10[%dma_wait3A_88] : memref<4x!tpu.dma_semaphore, #tpu.memory_space<semaphore_mem>> -> memref<1x!tpu.dma_semaphore, #tpu.memory_space<semaphore_mem>>
    %dma_wait3A_99 = tpu.memref_squeeze %dma_wait3A_98 : memref<1x!tpu.dma_semaphore, #tpu.memory_space<semaphore_mem>> -> memref<!tpu.dma_semaphore, #tpu.memory_space<semaphore_mem>>
    tpu.wait_indirect_dma semaphore(%dma_wait3A_99 : memref<!tpu.dma_semaphore, #tpu.memory_space<semaphore_mem>>) src(%dma_wait3A_97 : memref<1000000x128xf32, #tpu.memory_space<hbm>>) dst(%dma_wait3A_91 : memref<128x128xf32, #tpu.memory_space<vmem>>)
    %dma_wait3A_100 = arith.constant 1 : i32
    %dma_wait3A_101 = arith.constant 1 : i32
    %dma_wait3A_102 = arith.constant 128 : i32
    %dma_wait3A_103 = arith.constant 0 : i32
    %dma_wait3A_104 = tpu.memref_slice %arg8[%dma_wait3A_102, %dma_wait3A_103] : memref<512x128xf32, #tpu.memory_space<vmem>> -> memref<128x128xf32, #tpu.memory_space<vmem>>
    %dma_wait3A_105 = arith.constant 0 : i32
    %dma_wait3A_106 = tpu.memref_slice %arg7[%dma_wait3A_100, %dma_wait3A_105] : memref<4x128xi32, #tpu.memory_space<vmem>> -> memref<1x128xi32, #tpu.memory_space<vmem>>
    %dma_wait3A_107 = tpu.memref_squeeze %dma_wait3A_106 : memref<1x128xi32, #tpu.memory_space<vmem>> -> memref<128xi32, #tpu.memory_space<vmem>>
    %dma_wait3A_108 = arith.constant 0 : i32
    %dma_wait3A_109 = arith.constant 0 : i32
    %dma_wait3A_110 = tpu.memref_slice %arg2[%dma_wait3A_108, %dma_wait3A_109] : memref<1000000x128xf32, #tpu.memory_space<hbm>> -> memref<1000000x128xf32, #tpu.memory_space<hbm>>
    %dma_wait3A_111 = tpu.memref_slice %arg10[%dma_wait3A_101] : memref<4x!tpu.dma_semaphore, #tpu.memory_space<semaphore_mem>> -> memref<1x!tpu.dma_semaphore, #tpu.memory_space<semaphore_mem>>
    %dma_wait3A_112 = tpu.memref_squeeze %dma_wait3A_111 : memref<1x!tpu.dma_semaphore, #tpu.memory_space<semaphore_mem>> -> memref<!tpu.dma_semaphore, #tpu.memory_space<semaphore_mem>>
    tpu.wait_indirect_dma semaphore(%dma_wait3A_112 : memref<!tpu.dma_semaphore, #tpu.memory_space<semaphore_mem>>) src(%dma_wait3A_110 : memref<1000000x128xf32, #tpu.memory_space<hbm>>) dst(%dma_wait3A_104 : memref<128x128xf32, #tpu.memory_space<vmem>>)
    %dma_wait3A_113 = arith.constant 2 : i32
    %dma_wait3A_114 = arith.constant 2 : i32
    %dma_wait3A_115 = arith.constant 256 : i32
    %dma_wait3A_116 = arith.constant 0 : i32
    %dma_wait3A_117 = tpu.memref_slice %arg8[%dma_wait3A_115, %dma_wait3A_116] : memref<512x128xf32, #tpu.memory_space<vmem>> -> memref<128x128xf32, #tpu.memory_space<vmem>>
    %dma_wait3A_118 = arith.constant 0 : i32
    %dma_wait3A_119 = tpu.memref_slice %arg7[%dma_wait3A_113, %dma_wait3A_118] : memref<4x128xi32, #tpu.memory_space<vmem>> -> memref<1x128xi32, #tpu.memory_space<vmem>>
    %dma_wait3A_120 = tpu.memref_squeeze %dma_wait3A_119 : memref<1x128xi32, #tpu.memory_space<vmem>> -> memref<128xi32, #tpu.memory_space<vmem>>
    %dma_wait3A_121 = arith.constant 0 : i32
    %dma_wait3A_122 = arith.constant 0 : i32
    %dma_wait3A_123 = tpu.memref_slice %arg2[%dma_wait3A_121, %dma_wait3A_122] : memref<1000000x128xf32, #tpu.memory_space<hbm>> -> memref<1000000x128xf32, #tpu.memory_space<hbm>>
    %dma_wait3A_124 = tpu.memref_slice %arg10[%dma_wait3A_114] : memref<4x!tpu.dma_semaphore, #tpu.memory_space<semaphore_mem>> -> memref<1x!tpu.dma_semaphore, #tpu.memory_space<semaphore_mem>>
    %dma_wait3A_125 = tpu.memref_squeeze %dma_wait3A_124 : memref<1x!tpu.dma_semaphore, #tpu.memory_space<semaphore_mem>> -> memref<!tpu.dma_semaphore, #tpu.memory_space<semaphore_mem>>
    tpu.wait_indirect_dma semaphore(%dma_wait3A_125 : memref<!tpu.dma_semaphore, #tpu.memory_space<semaphore_mem>>) src(%dma_wait3A_123 : memref<1000000x128xf32, #tpu.memory_space<hbm>>) dst(%dma_wait3A_117 : memref<128x128xf32, #tpu.memory_space<vmem>>)
    %dma_wait3A_126 = arith.constant 3 : i32
    %dma_wait3A_127 = arith.constant 3 : i32
    %dma_wait3A_128 = arith.constant 384 : i32
    %dma_wait3A_129 = arith.constant 0 : i32
    %dma_wait3A_130 = tpu.memref_slice %arg8[%dma_wait3A_128, %dma_wait3A_129] : memref<512x128xf32, #tpu.memory_space<vmem>> -> memref<128x128xf32, #tpu.memory_space<vmem>>
    %dma_wait3A_131 = arith.constant 0 : i32
    %dma_wait3A_132 = tpu.memref_slice %arg7[%dma_wait3A_126, %dma_wait3A_131] : memref<4x128xi32, #tpu.memory_space<vmem>> -> memref<1x128xi32, #tpu.memory_space<vmem>>
    %dma_wait3A_133 = tpu.memref_squeeze %dma_wait3A_132 : memref<1x128xi32, #tpu.memory_space<vmem>> -> memref<128xi32, #tpu.memory_space<vmem>>
    %dma_wait3A_134 = arith.constant 0 : i32
    %dma_wait3A_135 = arith.constant 0 : i32
    %dma_wait3A_136 = tpu.memref_slice %arg2[%dma_wait3A_134, %dma_wait3A_135] : memref<1000000x128xf32, #tpu.memory_space<hbm>> -> memref<1000000x128xf32, #tpu.memory_space<hbm>>
    %dma_wait3A_137 = tpu.memref_slice %arg10[%dma_wait3A_127] : memref<4x!tpu.dma_semaphore, #tpu.memory_space<semaphore_mem>> -> memref<1x!tpu.dma_semaphore, #tpu.memory_space<semaphore_mem>>
    %dma_wait3A_138 = tpu.memref_squeeze %dma_wait3A_137 : memref<1x!tpu.dma_semaphore, #tpu.memory_space<semaphore_mem>> -> memref<!tpu.dma_semaphore, #tpu.memory_space<semaphore_mem>>
    tpu.wait_indirect_dma semaphore(%dma_wait3A_138 : memref<!tpu.dma_semaphore, #tpu.memory_space<semaphore_mem>>) src(%dma_wait3A_136 : memref<1000000x128xf32, #tpu.memory_space<hbm>>) dst(%dma_wait3A_130 : memref<128x128xf32, #tpu.memory_space<vmem>>)
    %dma_start3A_139 = arith.constant 0 : i32
    %dma_start3A_140 = tpu.memref_slice %arg5[%mul3A_2, %dma_start3A_139] : memref<16384x128xf32, #tpu.memory_space<hbm>> -> memref<512x128xf32, #tpu.memory_space<hbm>>
    %dma_start3A_141 = arith.constant 0 : i32
    %dma_start3A_142 = tpu.memref_slice %arg5[%mul3A_2, %dma_start3A_141] : memref<16384x128xf32, #tpu.memory_space<hbm>> -> memref<512x128xf32, #tpu.memory_space<hbm>>
    tpu.enqueue_dma source(%arg8 : memref<512x128xf32, #tpu.memory_space<vmem>>) target(%dma_start3A_142 : memref<512x128xf32, #tpu.memory_space<hbm>>) target_semaphore(%arg12 : memref<!tpu.dma_semaphore, #tpu.memory_space<semaphore_mem>>)
    %dma_wait3A_143 = arith.constant 0 : i32
    %dma_wait3A_144 = arith.constant 0 : i32
    %dma_wait3A_145 = tpu.memref_slice %arg9[%dma_wait3A_144] : memref<512xi32, #tpu.memory_space<vmem>> -> memref<128xi32, #tpu.memory_space<vmem>>
    %dma_wait3A_146 = arith.constant 0 : i32
    %dma_wait3A_147 = tpu.memref_slice %arg7[%dma_wait3A_143, %dma_wait3A_146] : memref<4x128xi32, #tpu.memory_space<vmem>> -> memref<1x128xi32, #tpu.memory_space<vmem>>
    %dma_wait3A_148 = tpu.memref_squeeze %dma_wait3A_147 : memref<1x128xi32, #tpu.memory_space<vmem>> -> memref<128xi32, #tpu.memory_space<vmem>>
    %dma_wait3A_149 = arith.constant 0 : i32
    %dma_wait3A_150 = tpu.memref_slice %arg3[%dma_wait3A_149] : memref<1000000xi32, #tpu.memory_space<hbm>> -> memref<1000000xi32, #tpu.memory_space<hbm>>
    tpu.wait_indirect_dma semaphore(%arg11 : memref<!tpu.dma_semaphore, #tpu.memory_space<semaphore_mem>>) src(%dma_wait3A_150 : memref<1000000xi32, #tpu.memory_space<hbm>>) dst(%dma_wait3A_145 : memref<128xi32, #tpu.memory_space<vmem>>)
    %dma_wait3A_151 = arith.constant 1 : i32
    %dma_wait3A_152 = arith.constant 128 : i32
    %dma_wait3A_153 = tpu.memref_slice %arg9[%dma_wait3A_152] : memref<512xi32, #tpu.memory_space<vmem>> -> memref<128xi32, #tpu.memory_space<vmem>>
    %dma_wait3A_154 = arith.constant 0 : i32
    %dma_wait3A_155 = tpu.memref_slice %arg7[%dma_wait3A_151, %dma_wait3A_154] : memref<4x128xi32, #tpu.memory_space<vmem>> -> memref<1x128xi32, #tpu.memory_space<vmem>>
    %dma_wait3A_156 = tpu.memref_squeeze %dma_wait3A_155 : memref<1x128xi32, #tpu.memory_space<vmem>> -> memref<128xi32, #tpu.memory_space<vmem>>
    %dma_wait3A_157 = arith.constant 0 : i32
    %dma_wait3A_158 = tpu.memref_slice %arg3[%dma_wait3A_157] : memref<1000000xi32, #tpu.memory_space<hbm>> -> memref<1000000xi32, #tpu.memory_space<hbm>>
    tpu.wait_indirect_dma semaphore(%arg11 : memref<!tpu.dma_semaphore, #tpu.memory_space<semaphore_mem>>) src(%dma_wait3A_158 : memref<1000000xi32, #tpu.memory_space<hbm>>) dst(%dma_wait3A_153 : memref<128xi32, #tpu.memory_space<vmem>>)
    %dma_wait3A_159 = arith.constant 2 : i32
    %dma_wait3A_160 = arith.constant 256 : i32
    %dma_wait3A_161 = tpu.memref_slice %arg9[%dma_wait3A_160] : memref<512xi32, #tpu.memory_space<vmem>> -> memref<128xi32, #tpu.memory_space<vmem>>
    %dma_wait3A_162 = arith.constant 0 : i32
    %dma_wait3A_163 = tpu.memref_slice %arg7[%dma_wait3A_159, %dma_wait3A_162] : memref<4x128xi32, #tpu.memory_space<vmem>> -> memref<1x128xi32, #tpu.memory_space<vmem>>
    %dma_wait3A_164 = tpu.memref_squeeze %dma_wait3A_163 : memref<1x128xi32, #tpu.memory_space<vmem>> -> memref<128xi32, #tpu.memory_space<vmem>>
    %dma_wait3A_165 = arith.constant 0 : i32
    %dma_wait3A_166 = tpu.memref_slice %arg3[%dma_wait3A_165] : memref<1000000xi32, #tpu.memory_space<hbm>> -> memref<1000000xi32, #tpu.memory_space<hbm>>
    tpu.wait_indirect_dma semaphore(%arg11 : memref<!tpu.dma_semaphore, #tpu.memory_space<semaphore_mem>>) src(%dma_wait3A_166 : memref<1000000xi32, #tpu.memory_space<hbm>>) dst(%dma_wait3A_161 : memref<128xi32, #tpu.memory_space<vmem>>)
    %dma_wait3A_167 = arith.constant 3 : i32
    %dma_wait3A_168 = arith.constant 384 : i32
    %dma_wait3A_169 = tpu.memref_slice %arg9[%dma_wait3A_168] : memref<512xi32, #tpu.memory_space<vmem>> -> memref<128xi32, #tpu.memory_space<vmem>>
    %dma_wait3A_170 = arith.constant 0 : i32
    %dma_wait3A_171 = tpu.memref_slice %arg7[%dma_wait3A_167, %dma_wait3A_170] : memref<4x128xi32, #tpu.memory_space<vmem>> -> memref<1x128xi32, #tpu.memory_space<vmem>>
    %dma_wait3A_172 = tpu.memref_squeeze %dma_wait3A_171 : memref<1x128xi32, #tpu.memory_space<vmem>> -> memref<128xi32, #tpu.memory_space<vmem>>
    %dma_wait3A_173 = arith.constant 0 : i32
    %dma_wait3A_174 = tpu.memref_slice %arg3[%dma_wait3A_173] : memref<1000000xi32, #tpu.memory_space<hbm>> -> memref<1000000xi32, #tpu.memory_space<hbm>>
    tpu.wait_indirect_dma semaphore(%arg11 : memref<!tpu.dma_semaphore, #tpu.memory_space<semaphore_mem>>) src(%dma_wait3A_174 : memref<1000000xi32, #tpu.memory_space<hbm>>) dst(%dma_wait3A_169 : memref<128xi32, #tpu.memory_space<vmem>>)
    "tpu.region"() ({
      %run_scoped3A = tpu.sem_alloc : memref<!tpu.dma_semaphore, #tpu.memory_space<semaphore_mem>>
      %dma_start3A_179 = tpu.memref_slice %arg6[%mul3A_2] : memref<16384xi32, #tpu.memory_space<hbm>> -> memref<512xi32, #tpu.memory_space<hbm>>
      %dma_start3A_180 = tpu.memref_slice %arg6[%mul3A_2] : memref<16384xi32, #tpu.memory_space<hbm>> -> memref<512xi32, #tpu.memory_space<hbm>>
      tpu.enqueue_dma source(%arg9 : memref<512xi32, #tpu.memory_space<vmem>>) target(%dma_start3A_180 : memref<512xi32, #tpu.memory_space<hbm>>) target_semaphore(%run_scoped3A : memref<!tpu.dma_semaphore, #tpu.memory_space<semaphore_mem>>)
      %dma_wait3A_181 = tpu.memref_slice %arg6[%mul3A_2] : memref<16384xi32, #tpu.memory_space<hbm>> -> memref<512xi32, #tpu.memory_space<hbm>>
      %dma_wait3A_182 = tpu.memref_slice %arg6[%mul3A_2] : memref<16384xi32, #tpu.memory_space<hbm>> -> memref<512xi32, #tpu.memory_space<hbm>>
      tpu.wait_dma2 semaphore(%run_scoped3A : memref<!tpu.dma_semaphore, #tpu.memory_space<semaphore_mem>>) src(%arg9 : memref<512xi32, #tpu.memory_space<vmem>>) dst(%dma_wait3A_182 : memref<512xi32, #tpu.memory_space<hbm>>)
      tpu.yield
    }) : () -> ()
    %dma_wait3A_175 = arith.constant 0 : i32
    %dma_wait3A_176 = tpu.memref_slice %arg5[%mul3A_2, %dma_wait3A_175] : memref<16384x128xf32, #tpu.memory_space<hbm>> -> memref<512x128xf32, #tpu.memory_space<hbm>>
    %dma_wait3A_177 = arith.constant 0 : i32
    %dma_wait3A_178 = tpu.memref_slice %arg5[%mul3A_2, %dma_wait3A_177] : memref<16384x128xf32, #tpu.memory_space<hbm>> -> memref<512x128xf32, #tpu.memory_space<hbm>>
    tpu.wait_dma2 semaphore(%arg12 : memref<!tpu.dma_semaphore, #tpu.memory_space<semaphore_mem>>) src(%arg8 : memref<512x128xf32, #tpu.memory_space<vmem>>) dst(%dma_wait3A_178 : memref<512x128xf32, #tpu.memory_space<hbm>>)
    return
  }
}

</mosaic_0001>

<sc_bundles>
// kernel: kernel.3.cloned.1.call-start
scs
__scs_entry_jumppad:
0x0: {  	(pc) =	sbr.rel $0x88, $3  }
0x1: {  	(tag) =	ssettag $0x0;
	lr =	simm.s32 $0x1  }
0x2: {  	[smem:$0x3F9E] =	sst lr;
	_ =	strace $0xD0000000  }
0x3: {  	_ = 	snop  }
0x4: {  	_ = 	snop  }
0x5: {  	_ = 	snop  }
0x6: {  	_ = 	snop  }
0x7: {  	_ = 	snop  }
__scs_overlays_trampoline_lowered:
0x8: {  	[smem:$0x3FAD] =	sst s0  }
0x9: {  	[smem:$0x3FAE] =	sst s1  }
0xa: {  	[smem:$0x3FAF] =	sst s2  }
0xb: {  	[smem:$0x3FB0] =	sst s3  }
0xc: {  	[smem:$0x3FB1] =	sst s4  }
0xd: {  	[smem:$0x3FB2] =	sst s5  }
0xe: {  	[smem:$0x3FB3] =	sst s6  }
0xf: {  	[smem:$0x3FB4] =	sst s7  }
0x10: {  	[smem:$0x3FB5] =	sst s8  }
0x11: {  	[smem:$0x3FB6] =	sst s9;
	s0 =	simm.s32 @!p0 $0x0  }
0x12: {  	s1 =	sld [smem:$0x3F9C];
	s0 =	simm.s32 @p0 $0x1  }
0x13: {  	[smem:$0x3FB7] =	sst s0;
	s0 =	simm.s32 @!p1 $0x0  }
0x14: {  	s2 =	sld [smem:$0x3F9B];
	s0 =	simm.s32 @p1 $0x1  }
0x15: {  	[smem:$0x3FB8] =	sst s0;
	s0 =	simm.s32 @!p2 $0x0  }
0x16: {  	s3 =	sld [smem:$0x3FDB];
	s0 =	simm.s32 @p2 $0x1  }
0x17: {  	s4 =	simm.s32 $0x1BF5;
	[smem:$0x3FBA] =	sst s0  }
0x18: {  	s0 =	sld [smem:$0x3F9D];
	_ =	swait.ge [sflag:s4], $0x0  }
0x19: {  	s7 =	sld [smem:$0x3F9E]  }
0x1a: {  	s8 =	sadd.s32 $0xFFFFE003, lr  }
0x1b: {  	s9 =	sadd.s32 $0xFFFFFEF7, lr;
	s5 =	simm.s32 $0xFFFFFFFF;
	p2 =	slt.u32 s8, $0xFFFFF086  }
0x1c: {  	p1 =	slt.u32 s9, $0xF7A;
	s5 =	simm.s32 @!p2 $0x0  }
0x1d: {  	s5 =	simm.s32 @p1 $0x1;
	p0 =	seq.s32 s7, s2  }
0x1e: {  	s7 =	smul.u32 @!p0 $0xF7A, s2;
	p2 =	seq.s32 @!p0 s5, $0x0  }
0x1f: {  	s9 =	smul.u32 $0xF7A, s1;
	s8 =	simm.s32 @!p0 $0x1BF5;
	p2 =	por !p2, p0  }
0x20: {  	[sflag:s8] =	ssyncset.s32 @!p0 $0xFFFFF086;
	s6 =	sadd.s32 @!p0 s3, s7;
	s7 =	simm.s32 @!p0 $0x108  }
0x21: {  	s3 =	sadd.s32 s3, s9;
	s6 =	sadd.s32 @!p0 $0x88, s6;
	s7 =	simm.s32 @p2 $0x1082  }
0x22: {  	[simem:s7], [sflag:s8] =	dma.local @!p0 [hbm:s6], $0xF7A  }
0x23: {  	s9 =	sor.u32 $0xD0000000, s2;
	s6 =	simm.s32 $0x108;
	_ =	swait.ge @!p0 [sflag:s8], $0x0  }
0x24: {  	s3 =	sadd.s32 $0x88, s3;
	s6 =	simm.s32 @!p1 $0x1082;
	[sflag:s4] =	ssyncset.s32 $0xFFFFF086  }
0x25: {  	[simem:s6], [sflag:s4] =	dma.local [hbm:s3], $0xF7A  }
0x26: {  	[smem:$0x3F9E] =	sst s1;
	(tag) =	ssettag s2;
	_ =	strace s9  }
0x27: {  	s1 =	sld [smem:$0x3FAE]  }
0x28: {  	s2 =	sld [smem:$0x3FAF]  }
0x29: {  	s4 =	sld [smem:$0x3FB1]  }
0x2a: {  	p0 =	seq.s32 s5, $0x0;
	s5 =	sld [smem:$0x3FB2]  }
0x2b: {  	s6 =	sld [smem:$0x3FB3]  }
0x2c: {  	s7 =	sld [smem:$0x3FB4]  }
0x2d: {  	s3 =	simm.s32 $0x108;
	s8 =	sld [smem:$0x3FB5]  }
0x2e: {  	s3 =	simm.s32 @!p0 $0x1082;
	s9 =	sld [smem:$0x3FB6]  }
0x2f: {  	lr =	sadd.s32 s0, s3;
	s0 =	sld [smem:$0x3FAD]  }
0x30: {  	s3 =	sld [smem:$0x3FB0]  }
0x31: {  	[smem:$0x3FB9] =	sst s10  }
0x32: {  	s10 =	sld [smem:$0x3FB7];
	_ =	sdelay $0x3  }
0x33: {  	p0 =	seq.s32 s10, $0x1;
	s10 =	sld [smem:$0x3FB9];
	_ =	sdelay $0x3  }
0x34: {  	[smem:$0x3FB9] =	sst s10  }
0x35: {  	s10 =	sld [smem:$0x3FB8];
	_ =	sdelay $0x3  }
0x36: {  	p1 =	seq.s32 s10, $0x1;
	s10 =	sld [smem:$0x3FB9];
	_ =	sdelay $0x3  }
0x37: {  	[smem:$0x3FB9] =	sst s10  }
0x38: {  	s10 =	sld [smem:$0x3FBA]  }
0x39: {  	_ = 	snop;
	(pc) =	sbr.ind lr, $3  }
0x3a: {  	_ = 	snop  }
0x3b: {  	_ = 	snop  }
0x3c: {  	p2 =	seq.s32 s10, $0x1;
	s10 =	sld [smem:$0x3FB9]  }
0x3d: {  	_ =	shalt  }
0x3e: {  	_ =	shalt  }
0x3f: {  	_ =	shalt  }
0x40: {  	_ =	shalt  }
0x41: {  	_ =	shalt  }
0x42: {  	_ =	shalt  }
0x43: {  	_ =	shalt  }
0x44: {  	_ =	shalt  }
0x45: {  	_ =	shalt  }
0x46: {  	_ =	shalt  }
0x47: {  	_ =	shalt  }
0x48: {  	_ =	shalt  }
0x49: {  	_ =	shalt  }
0x4a: {  	_ =	shalt  }
0x4b: {  	_ =	shalt  }
0x4c: {  	_ =	shalt  }
0x4d: {  	_ =	shalt  }
0x4e: {  	_ =	shalt  }
0x4f: {  	_ =	shalt  }
0x50: {  	_ =	shalt  }
0x51: {  	_ =	shalt  }
0x52: {  	_ =	shalt  }
0x53: {  	_ =	shalt  }
0x54: {  	_ =	shalt  }
0x55: {  	_ =	shalt  }
0x56: {  	_ =	shalt  }
0x57: {  	_ =	shalt  }
0x58: {  	_ =	shalt  }
0x59: {  	_ =	shalt  }
0x5a: {  	_ =	shalt  }
0x5b: {  	_ =	shalt  }
0x5c: {  	_ =	shalt  }
0x5d: {  	_ =	shalt  }
0x5e: {  	_ =	shalt  }
0x5f: {  	_ =	shalt  }
0x60: {  	_ =	shalt  }
0x61: {  	_ =	shalt  }
0x62: {  	_ =	shalt  }
0x63: {  	_ =	shalt  }
0x64: {  	_ =	shalt  }
0x65: {  	_ =	shalt  }
0x66: {  	_ =	shalt  }
0x67: {  	_ =	shalt  }
0x68: {  	_ =	shalt  }
0x69: {  	_ =	shalt  }
0x6a: {  	_ =	shalt  }
0x6b: {  	_ =	shalt  }
0x6c: {  	_ =	shalt  }
0x6d: {  	_ =	shalt  }
0x6e: {  	_ =	shalt  }
0x6f: {  	_ =	shalt  }
0x70: {  	_ =	shalt  }
0x71: {  	_ =	shalt  }
0x72: {  	_ =	shalt  }
0x73: {  	_ =	shalt  }
0x74: {  	_ =	shalt  }
0x75: {  	_ =	shalt  }
0x76: {  	_ =	shalt  }
0x77: {  	_ =	shalt  }
0x78: {  	_ =	shalt  }
0x79: {  	_ =	shalt  }
0x7a: {  	_ =	shalt  }
0x7b: {  	_ =	shalt  }
0x7c: {  	_ =	shalt  }
0x7d: {  	_ =	shalt  }
0x7e: {  	_ =	shalt  }
0x7f: {  	_ =	shalt  }
0x80: {  	_ =	shalt  }
0x81: {  	_ =	shalt  }
0x82: {  	_ =	shalt  }
0x83: {  	_ =	shalt  }
0x84: {  	_ =	shalt  }
0x85: {  	_ =	shalt  }
0x86: {  	_ =	shalt  }
0x87: {  	_ =	shalt  }
.Lfunc_end0:
.L_simem_size_0:
called_computation_lowered:
.L_overlay_start_0:
0x88: {  	s2 =	sld [smem:$0x3FD9]  }
0x89: {  	s3 =	sld [smem:$0x3FFE];
	_ =	sdelay $0x1  }
0x8a: {  	s1 =	srdreg.scid  }
0x8b: {  	s0 =	sand.u32 $0x1, s1  }
0x8c: {  	s15 =	sshll.u32 s0, $0xA;
	s2 =	sadd.s32 s3, s2  }
0x8d: {  	s2 =	sadd.s32 s2, s15  }
0x8e: {  	[smem:$0x3FC5] =	sst s2  }
0x8f: {  	_ = 	snop  }
0x90: {  	s2 =	sld [smem:$0x3FD0]  }
0x91: {  	s16 =	sld [smem:$0x3FC9]  }
0x92: {  	s4 =	sld [smem:$0x3FC8]  }
0x93: {  	s6 =	simm.s32 $0xA;
	s7 =	simm.s32 $0x10;
	s5 =	sld [smem:$0x3FC7]  }
0x94: {  	[smem:s7], [sflag:s6] =	dma.local [hbm:s2], $0x1  }
0x95: {  	_ =	swait.eq [sflag:s6], $0x1  }
0x96: {  	[sflag:s6] =	ssyncset.done $0x0  }
0x97: {  	s17 =	sld [smem:$0x10];
	[sflag:s6] =	ssyncadd.s32 $0xFFFFFFFF  }
0x98: {  	s18 =	sld [smem:$0x11];
	(tm) =	ssettm $0x1  }
0x99: {  	s19 =	sld [smem:$0x3FFB];
	_ =	sdelay $0x3  }
0x9a: {  	_ =	strace s19  }
0x9b: {  	s7 =	sld [smem:$0x3FFC];
	_ =	sdelay $0x3  }
0x9c: {  	_ =	strace s7  }
0x9d: {  	s7 =	sld [smem:$0x3FFD];
	_ =	sdelay $0x3  }
0x9e: {  	_ =	strace s7  }
0x9f: {  	_ =	strace $0x8FFFFFFF  }
0xa0: {  	s20 =	sld [smem:$0x3FDB];
	_ =	sdelay $0x1  }
0xa1: {  	s8 =	simm.s32 $_scs_section_size  }
0xa2: {  	s9 =	simm.s32 $_size__tile_overlayer_lowered;
	s10 =	simm.s32 $_tile_overlayer_lowered  }
0xa3: {  	s23 =	simm.s32 $0x1BFF;
	s22 =	sshll.u32 s10, $0x1;
	s7 =	sadd.s32 s8, s20  }
0xa4: {  	s11 =	simm.s32 $0x0;
	s21 =	sshll.u32 s9, $0x1;
	s9 =	sadd.s32 s22, s7  }
0xa5: {  	[timem:s11], [sflag:s23] =	dma.local [hbm:s9], s21  }
0xa6: {  	_ =	swait.ge [sflag:s23], s21  }
0xa7: {  	s8 =	ssub.s32 $0x0, s21;
	[sflag:s23] =	ssyncset.done $0x0  }
0xa8: {  	[sflag:s23] =	ssyncadd.s32 s8;
	_ =	sdelay $0x1  }
0xa9: {  	s24 =	simm.s32 $0x1B8B  }
0xaa: {  	_ =	swait.ge [sflag:s24], $0x1  }
0xab: {  	[sflag:s24] =	ssyncset.done $0x0  }
0xac: {  	s25 =	simm.s32 $0x1B8E;
	[sflag:s24] =	ssyncadd.s32 $0xFFFFFFFF  }
0xad: {  	s26 =	simm.s32 $execute0_lowered;
	[smem:$0x3FD2] =	sst s25  }
0xae: {  	s8 =	sshll.u32 s26, $0x1;
	_ =	strace $0x80000046;
	[dreg:$0x1] =	wrdreg $0xFFFFFFFF  }
0xaf: {  	s28 =	simm.s32 $_size_execute0_lowered;
	s7 =	sadd.s32 s7, s8;
	[dreg:$0x0] =	wrdreg $0x0  }
0xb0: {  	s8 =	sshll.u32 s28, $0x1;
	[dreg:$0x2] =	wrdreg s7  }
0xb1: {  	[dreg:$0x3] =	wrdreg s8  }
0xb2: {  	[dreg:$0x4] =	wrdreg $0xC0  }
0xb3: {  	_ =	task [dreg:s11], $0x5FFFF  }
0xb4: {  	[dreg:$0x1] =	wrdreg $0xFFFFFFFF  }
0xb5: {  	[dreg:$0x0] =	wrdreg $0x60  }
0xb6: {  	[dreg:$0x2] =	wrdreg s16  }
0xb7: {  	[dreg:$0x3] =	wrdreg s4  }
0xb8: {  	[dreg:$0x4] =	wrdreg s5  }
0xb9: {  	[dreg:$0x5] =	wrdreg s17  }
0xba: {  	[dreg:$0x6] =	wrdreg s18  }
0xbb: {  	[dreg:$0x7] =	wrdreg $0x9  }
0xbc: {  	_ =	task.clear_ibuf [dreg:s11], $0x8FFFF;
	_ =	strace $0x90000046  }
0xbd: {  	s29 =	simm.s32 $0x9;
	_ =	strace $0x80000048  }
0xbe: {  	_ =	swait.ge [sflag:s29], $0x1  }
0xbf: {  	[sflag:s29] =	ssyncadd.s32 $0xFFFFFFFF  }
0xc0: {  	_ =	strace $0x90000048  }
0xc1: {  	_ =	sfence  }
0xc2: {  	s30 =	sld [smem:$0x0];
	_ =	sdelay $0x2  }
0xc3: {  	s31 =	sshll.u32 s1, $0xD;
	s1 =	sshrl.u32 s1, $0x2  }
0xc4: {  	s3 =	sand.u32 $0x4000, s31;
	s1 =	sadd.s32 s1, s30  }
0xc5: {  	s0 =	sor.u32 s3, s0;
	s1 =	sshll.u32 s1, $0x11  }
0xc6: {  	s0 =	sor.u32 s1, s0  }
0xc7: {  	s0 =	sadd.s32 $0x8F2B, s0  }
0xc8: {  	[sflag:s0] =	ssyncadd.remote.s32 $0x1  }
0xc9: {  	_ =	sfence.sel $0xFFFF  }
0xca: {  	[dreg:$0x0] =	wrdreg $0xFFFFFFFF;
	(pc) =	sbr.abs _section_cstart, $3  }
0xcb: {  	[dreg:$0x1] =	wrdreg $0xFFFFFFFF  }
0xcc: {  	_ =	task.clear_ibuf [dreg:s11], $0x2FFFF;
	_ =	strace $0x9FFFFFFF  }
0xcd: {  	(tm) =	ssettm $0x7FFFFFFF  }
tec
execute0_lowered:
.L_overlay_start_1:
0x0: {  	(tag) =	ssettag $0x1  }
0x1: {  	s1 =	rddreg [dreg:$0x0]  }
0x2: {  	s2 =	rddreg [dreg:$0x1]  }
0x3: {  	s5 =	rddreg [dreg:$0x2]  }
0x4: {  	s22 =	rddreg [dreg:$0x3]  }
0x5: {  	s24 =	rddreg [dreg:$0x4];
	s3 =	srdreg.scid  }
0x6: {  	s0 =	rddreg [dreg:$0x5];
	s25 =	sand.u32 $0x1, s3  }
0x7: {  	s4 =	simm.s32 $0x0;
	s3 =	stileid.u32;
	s6 =	sshll.u32 s25, $0x6  }
0x8: {  	[smem:$0x7FF] =	sst s4;
	s7 =	sshll.u32 s3, $0x7;
	s5 =	sadd.s32 s5, s6  }
0x9: {  	_ =	strace $0x80000047;
	s6 =	simm.s32 $0x7;
	s5 =	sadd.s32 s7, s5  }
0xa: {  	[tilespmem:s4], [sflag:$0x7] =	stream.linear.gather [hbm4b:s5+s4], $0x200, $0x38;
	[tilespmem:$0x10400] =	vst v63  }
0xb: {  	_ =	swait.ge [sflag:s6], $0x200  }
0xc: {  	[sflag:s6] =	ssyncset.done $0x0  }
0xd: {  	s8 =	simm.s32 $0x200;
	s7 =	simm.s32 $0x80;
	[sflag:s6] =	ssyncadd.s32 $0xFFFFFE00  }
0xe: {  	[tilespmem:s8], [sflag:$0x1] =	stream.indirect.gather [hbm4b:s1+s7], $0x80, s4, s7, $0xb8;
	[tilespmem:$0x10400] =	vst v63  }
0xf: {  	s9 =	simm.s32 $0x4200  }
0x10: {  	[tilespmem:s9], [sflag:$0x2] =	stream.indirect.gather [hbm4b:s1+s7], $0x80, s7, s7, $0xb8;
	[tilespmem:$0x10400] =	vst v63  }
0x11: {  	s10 =	simm.s32 $0x100;
	s11 =	simm.s32 $0x8200  }
0x12: {  	[tilespmem:s11], [sflag:$0x3] =	stream.indirect.gather [hbm4b:s1+s7], $0x80, s10, s7, $0xb8;
	[tilespmem:$0x10400] =	vst v63  }
0x13: {  	s12 =	simm.s32 $0x180;
	s13 =	simm.s32 $0xC200  }
0x14: {  	[tilespmem:s13], [sflag:$0x4] =	stream.indirect.gather [hbm4b:s1+s7], $0x80, s12, s7, $0xb8;
	[tilespmem:$0x10400] =	vst v63  }
0x15: {  	s14 =	simm.s32 $0x10200  }
0x16: {  	[tilespmem:s14], [sflag:$0x5] =	stream.indirect.gather [hbm4b:s2+s7], $0x1, s4, s7, $0xb8;
	[tilespmem:$0x10400] =	vst v63  }
0x17: {  	s15 =	simm.s32 $0x10280  }
0x18: {  	[tilespmem:s15], [sflag:$0x5] =	stream.indirect.gather [hbm4b:s2+s7], $0x1, s7, s7, $0xb8;
	[tilespmem:$0x10400] =	vst v63  }
0x19: {  	s16 =	simm.s32 $0x10300  }
0x1a: {  	[tilespmem:s16], [sflag:$0x5] =	stream.indirect.gather [hbm4b:s2+s7], $0x1, s10, s7, $0xb8;
	[tilespmem:$0x10400] =	vst v63  }
0x1b: {  	s17 =	simm.s32 $0x10380;
	s18 =	simm.s32 $0x1  }
0x1c: {  	[tilespmem:s17], [sflag:$0x5] =	stream.indirect.gather [hbm4b:s2+s7], $0x1, s12, s7, $0xb8;
	[tilespmem:$0x10400] =	vst v63  }
0x1d: {  	_ =	swait.ge [sflag:s18], $0x4000  }
0x1e: {  	[sflag:s18] =	ssyncset.done $0x0  }
0x1f: {  	s19 =	simm.s32 $0x2;
	[sflag:s18] =	ssyncadd.s32 $0xFFFFC000  }
0x20: {  	_ =	swait.ge [sflag:s19], $0x4000  }
0x21: {  	[sflag:s19] =	ssyncset.done $0x0  }
0x22: {  	s20 =	simm.s32 $0x3;
	[sflag:s19] =	ssyncadd.s32 $0xFFFFC000  }
0x23: {  	_ =	swait.ge [sflag:s20], $0x4000  }
0x24: {  	[sflag:s20] =	ssyncset.done $0x0  }
0x25: {  	s21 =	simm.s32 $0x4;
	s23 =	sshll.u32 s3, $0x1;
	[sflag:s20] =	ssyncadd.s32 $0xFFFFC000  }
0x26: {  	s26 =	sor.u32 s25, s23;
	_ =	swait.ge [sflag:s21], $0x4000  }
0x27: {  	s23 =	sshll.u32 s26, $0xD;
	[sflag:s21] =	ssyncset.done $0x0  }
0x28: {  	s22 =	sadd.s32 s22, s23;
	s23 =	simm.s32 $0x5;
	[sflag:s21] =	ssyncadd.s32 $0xFFFFC000  }
0x29: {  	[hbm4b:s22+s4] =	stream.linear.scatter [tilespmem:s8], [sflag:$0x6], $0x10000, $0x38;
	[tilespmem:$0x10400] =	vst v63  }
0x2a: {  	_ =	swait.ge [sflag:s23], $0x80  }
0x2b: {  	[sflag:s23] =	ssyncset.done $0x0  }
0x2c: {  	[sflag:s23] =	ssyncadd.s32 $0xFFFFFF80  }
0x2d: {  	_ =	swait.ge [sflag:s23], $0x80  }
0x2e: {  	[sflag:s23] =	ssyncset.done $0x0  }
0x2f: {  	[sflag:s23] =	ssyncadd.s32 $0xFFFFFF80  }
0x30: {  	_ =	swait.ge [sflag:s23], $0x80  }
0x31: {  	s25 =	ssub.s32 $0x2, s25;
	[sflag:s23] =	ssyncset.done $0x0  }
0x32: {  	s31 =	sshrl.u32 s25, $0x1;
	[sflag:s23] =	ssyncadd.s32 $0xFFFFFF80  }
0x33: {  	s26 =	sshll.u32 s26, $0x6;
	s25 =	ssub.s32 s25, s31;
	_ =	swait.ge [sflag:s23], $0x80  }
0x34: {  	s24 =	sadd.s32 s24, s26;
	s26 =	smax.u32 s25, $0x1;
	[sflag:s23] =	ssyncset.done $0x0  }
0x35: {  	p0 =	sne.s32 s26, $0x1;
	[sflag:s23] =	ssyncadd.s32 $0xFFFFFF80  }
0x36: {  	[hbm4b:s24+s4] =	stream.linear.scatter [tilespmem:s14], [sflag:$0x7], $0x200, $0x38;
	[tilespmem:$0x10400] =	vst v63  }
.Ltmp0:
0x37: {  	_ =	swait.ge [sflag:s6], $0x200;
	(pc) =	sbr.rel @!p0 .LBB2_2-.Ltmp0, $4  }
0x38: {  	[sflag:s6] =	ssyncset.done $0x0  }
0x39: {  	s25 =	simm.s32 $0x6;
	[sflag:s6] =	ssyncadd.s32 $0xFFFFFE00  }
0x3a: {  	_ =	swait.ge [sflag:s25], $0x10000  }
0x3b: {  	s26 =	sadd.s32 $0xFFFFFFFF, s26;
	[sflag:s25] =	ssyncset.done $0x0  }
.LBB2_1:
0x3c: {  	p0 =	sne.s32 s26, $0x1;
	s26 =	sadd.s32 $0xFFFFFFFF, s26;
	[sflag:s25] =	ssyncadd.s32 $0xFFFF0000  }
0x3d: {  	[tilespmem:s4], [sflag:$0x7] =	stream.linear.gather [hbm4b:s5+s4], $0x200, $0x38;
	[tilespmem:$0x10400] =	vst v63  }
0x3e: {  	_ =	swait.ge [sflag:s6], $0x200  }
0x3f: {  	[sflag:s6] =	ssyncset.done $0x0  }
0x40: {  	[sflag:s6] =	ssyncadd.s32 $0xFFFFFE00  }
0x41: {  	[tilespmem:s8], [sflag:$0x1] =	stream.indirect.gather [hbm4b:s1+s7], $0x80, s4, s7, $0xb8;
	[tilespmem:$0x10400] =	vst v63  }
0x42: {  	_ = 	snop  }
0x43: {  	[tilespmem:s9], [sflag:$0x2] =	stream.indirect.gather [hbm4b:s1+s7], $0x80, s7, s7, $0xb8;
	[tilespmem:$0x10400] =	vst v63  }
0x44: {  	_ = 	snop  }
0x45: {  	[tilespmem:s11], [sflag:$0x3] =	stream.indirect.gather [hbm4b:s1+s7], $0x80, s10, s7, $0xb8;
	[tilespmem:$0x10400] =	vst v63  }
0x46: {  	_ = 	snop  }
0x47: {  	[tilespmem:s13], [sflag:$0x4] =	stream.indirect.gather [hbm4b:s1+s7], $0x80, s12, s7, $0xb8;
	[tilespmem:$0x10400] =	vst v63  }
0x48: {  	_ = 	snop  }
0x49: {  	[tilespmem:s14], [sflag:$0x5] =	stream.indirect.gather [hbm4b:s2+s7], $0x1, s4, s7, $0xb8;
	[tilespmem:$0x10400] =	vst v63  }
0x4a: {  	_ = 	snop  }
0x4b: {  	[tilespmem:s15], [sflag:$0x5] =	stream.indirect.gather [hbm4b:s2+s7], $0x1, s7, s7, $0xb8;
	[tilespmem:$0x10400] =	vst v63  }
0x4c: {  	_ = 	snop  }
0x4d: {  	[tilespmem:s16], [sflag:$0x5] =	stream.indirect.gather [hbm4b:s2+s7], $0x1, s10, s7, $0xb8;
	[tilespmem:$0x10400] =	vst v63  }
0x4e: {  	_ = 	snop  }
0x4f: {  	[tilespmem:s17], [sflag:$0x5] =	stream.indirect.gather [hbm4b:s2+s7], $0x1, s12, s7, $0xb8;
	[tilespmem:$0x10400] =	vst v63  }
0x50: {  	_ =	swait.ge [sflag:s18], $0x4000  }
0x51: {  	[sflag:s18] =	ssyncset.done $0x0  }
0x52: {  	[sflag:s18] =	ssyncadd.s32 $0xFFFFC000  }
0x53: {  	_ =	swait.ge [sflag:s19], $0x4000  }
0x54: {  	[sflag:s19] =	ssyncset.done $0x0  }
0x55: {  	[sflag:s19] =	ssyncadd.s32 $0xFFFFC000  }
0x56: {  	_ =	swait.ge [sflag:s20], $0x4000  }
0x57: {  	[sflag:s20] =	ssyncset.done $0x0  }
0x58: {  	[sflag:s20] =	ssyncadd.s32 $0xFFFFC000  }
0x59: {  	_ =	swait.ge [sflag:s21], $0x4000  }
0x5a: {  	[sflag:s21] =	ssyncset.done $0x0  }
0x5b: {  	[sflag:s21] =	ssyncadd.s32 $0xFFFFC000  }
0x5c: {  	[hbm4b:s22+s4] =	stream.linear.scatter [tilespmem:s8], [sflag:$0x6], $0x10000, $0x38;
	[tilespmem:$0x10400] =	vst v63  }
0x5d: {  	_ =	swait.ge [sflag:s23], $0x80  }
0x5e: {  	[sflag:s23] =	ssyncset.done $0x0  }
0x5f: {  	[sflag:s23] =	ssyncadd.s32 $0xFFFFFF80  }
0x60: {  	_ =	swait.ge [sflag:s23], $0x80  }
0x61: {  	[sflag:s23] =	ssyncset.done $0x0  }
0x62: {  	[sflag:s23] =	ssyncadd.s32 $0xFFFFFF80  }
0x63: {  	_ =	swait.ge [sflag:s23], $0x80  }
0x64: {  	[sflag:s23] =	ssyncset.done $0x0  }
0x65: {  	[sflag:s23] =	ssyncadd.s32 $0xFFFFFF80  }
0x66: {  	_ =	swait.ge [sflag:s23], $0x80  }
0x67: {  	[sflag:s23] =	ssyncset.done $0x0  }
0x68: {  	[sflag:s23] =	ssyncadd.s32 $0xFFFFFF80  }
0x69: {  	[hbm4b:s24+s4] =	stream.linear.scatter [tilespmem:s14], [sflag:$0x7], $0x200, $0x38;
	[tilespmem:$0x10400] =	vst v63  }
.Ltmp1:
0x6a: {  	_ =	swait.ge [sflag:s6], $0x200;
	(pc) =	sbr.rel @p0 .LBB2_1-.Ltmp1, $4  }
0x6b: {  	[sflag:s6] =	ssyncset.done $0x0  }
0x6c: {  	[sflag:s6] =	ssyncadd.s32 $0xFFFFFE00  }
0x6d: {  	_ =	swait.ge [sflag:s25], $0x10000  }
0x6e: {  	[sflag:s25] =	ssyncset.done $0x0  }
.LBB2_2:
0x6f: {  	[sflag:s25] =	ssyncadd.s32 $0xFFFF0000  }
0x70: {  	_ =	sfence.sel $0x180000  }
0x71: {  	[bflag:$0x0] =	sbarrier.arrive $0xFFFF  }
0x72: {  	p0 =	sne.s32 s3, $0x0;
	_ =	strace $0x90000047  }
0x73: {  	s0 =	sadd.s32 @!p0 $0x100000, s0;
	[bflag:$0x2] =	sbarrier.arrive $0xFFFF  }
0x74: {  	[sflag:s0] =	ssyncadd.tile.s32 @!p0 $0x1;
	_ =	shalt  }
.Lfunc_end2:
_tile_overlayer_lowered:
.L_overlay_start_2:
0x75: {  	(tag) =	ssettag $0x2  }
0x76: {  	s0 =	rddreg [dreg:$0x0];
	s2 =	stileid.u32  }
0x77: {  	s1 =	rddreg [dreg:$0x1];
	p0 =	sne.s32 s2, $0x0  }
0x78: {  	s3 =	rddreg [dreg:$0x2];
	[bflag:$0x3] =	sbarrier.arrive $0xFFFF;
	s2 =	simm.s32 @!p0 $0x1C07  }
0x79: {  	[timem:s3], [sflag:s2] =	dma.local @!p0 [hbm:s0], s1  }
0x7a: {  	s0 =	simm.s32 @!p0 $0x7  }
0x7b: {  	_ =	swait.ge @!p0 [sflag:s0], s1  }
0x7c: {  	s1 =	ssub.s32 @!p0 $0x0, s1;
	[sflag:s0] =	ssyncset.done @!p0 $0x0  }
0x7d: {  	[sflag:s0] =	ssyncadd.s32 @!p0 s1  }
0x7e: {  	[bflag:$0x3] =	sbarrier.arrive $0xFFFF  }
0x7f: {  	_ =	shalt  }

</sc_bundles>
